<compile_context>
chip_gen: v7x
topology: tpu7x:2x2x1
jax: 0.10.2.dev20260603
libtpu: 0.0.44.dev20260713+nightly
codegen_flags: <defaults>
</compile_context>

<pallas_src>
import jax
import jax.numpy as jnp
from jax import lax
from jax.experimental import pallas as pl
from jax.experimental.pallas import tpu as pltpu

_PRCCD = 3


def _dot(m, x, dims=(((1,), (0,)), ((), ()))):
    return lax.dot_general(m, x, dims, precision=lax.Precision.HIGHEST,
                           preferred_element_type=jnp.float32)


def _arranger_body(closes_ref, oc_ref, a_ref, b_ref, o0_ref, o1_ref, o2_ref, ord_ref):
    T, S = closes_ref.shape[1], closes_ref.shape[2]
    closes = closes_ref[0]

    cond = closes != 0.0
    iota_s = lax.broadcasted_iota(jnp.int32, (T, S), 1)
    masked = jnp.where(cond, iota_s, S)
    fi = jnp.min(masked, axis=1, keepdims=True)
    onehot = iota_s == fi
    starts = jnp.sum(jnp.where(onehot, closes, 0.0), axis=1, keepdims=True)
    last = closes[:, S - 1:S]
    p_col = jnp.where(starts != 0.0, (last - starts) / starts,
                      jnp.zeros_like(starts))

    iota_j = lax.broadcasted_iota(jnp.int32, (T, T), 0)
    iota_i = lax.broadcasted_iota(jnp.int32, (T, T), 1)
    ident = (iota_j == iota_i).astype(jnp.float32)

    p_row = _dot(p_col, ident, (((0,), (0,)), ((), ())))

    pj = jnp.broadcast_to(p_col, (T, T))
    pi = jnp.broadcast_to(p_row, (T, T))
    beats = (pj > pi) | ((pj == pi) & (iota_j < iota_i))
    rank = jnp.sum(beats.astype(jnp.float32), axis=0, keepdims=True)

    P = (jnp.broadcast_to(rank.astype(jnp.int32), (T, T)) == iota_j).astype(jnp.float32)

    iota_col = lax.broadcasted_iota(jnp.int32, (T, 1), 0).astype(jnp.float32)
    ord_ref[0] = _dot(P, iota_col).astype(jnp.int32)

    o0_ref[0] = _dot(P, a_ref[0])
    o1_ref[0] = _dot(P, b_ref[0])
    o2_ref[0] = _dot(P, oc_ref[0])


def kernel(in0, in1, ochlv):
    B, T, S, F = ochlv.shape
    D = S * F
    closes = ochlv[..., _PRCCD]
    oc2 = ochlv.reshape(B, T, D)

    bmap = lambda b: (b, 0, 0)
    out0, out1, out2f, orders3 = pl.pallas_call(
        _arranger_body,
        grid=(B,),
        in_specs=[
            pl.BlockSpec((1, T, S), bmap),
            pl.BlockSpec((1, T, D), bmap),
            pl.BlockSpec((1, T, in0.shape[2]), bmap),
            pl.BlockSpec((1, T, in1.shape[2]), bmap),
        ],
        out_specs=[
            pl.BlockSpec((1, T, in0.shape[2]), bmap),
            pl.BlockSpec((1, T, in1.shape[2]), bmap),
            pl.BlockSpec((1, T, D), bmap),
            pl.BlockSpec((1, T, 1), bmap),
        ],
        out_shape=[
            jax.ShapeDtypeStruct((B, T, in0.shape[2]), in0.dtype),
            jax.ShapeDtypeStruct((B, T, in1.shape[2]), in1.dtype),
            jax.ShapeDtypeStruct((B, T, D), ochlv.dtype),
            jax.ShapeDtypeStruct((B, T, 1), jnp.int32),
        ],
        compiler_params=pltpu.CompilerParams(
            dimension_semantics=("parallel",),
        ),
    )(closes, oc2, in0, in1)

    out2 = out2f.reshape(B, T, S, F)
    orders = orders3.reshape(B, T)
    return ((out0, out1, out2), orders)

# --- scband reference (transcript-rebuilt; emitter-appended) ---
"""Pipeline reference for scband-arranger-12781822673023 (READ-ONLY COPY).

The authoritative reference and input builder live on the scoring server;
editing this copy changes nothing except your own understanding.
"""

import jax, jax.numpy as jnp
import numpy as np

# index of 'prccd' (close price) in the feature axis; constants.others['data_index'].get_loc('prccd')
PRCCD_IDX = 3


def setup_inputs(seed: int = 0) -> dict:
    key = jax.random.key(seed)
    k0, k1, k2 = jax.random.split(key, 3)
    in0 = jax.random.normal(k0, (16, 512, 64), dtype=jnp.float32)
    in1 = jax.random.normal(k1, (16, 512, 64), dtype=jnp.float32)
    ochlv = jax.random.uniform(k2, (16, 512, 256, 5), dtype=jnp.float32)
    return {"in0": in0, "in1": in1, "ochlv": ochlv}


def reference(in0, in1, ochlv):
    # closes: (B, T, S) -- close price series per (batch, ticker)
    closes = ochlv[..., PRCCD_IDX]
    cond = closes != 0.0
    # tf.ragged.boolean_mask(...).to_tensor(default_value=0)[..., 0] ==
    # first nonzero close per (batch, ticker), or 0 if the row is all zeros
    first_idx = jnp.argmax(cond, axis=-1)
    starts = jnp.take_along_axis(closes, first_idx[..., None], axis=-1)[..., 0]
    starts = jnp.where(jnp.any(cond, axis=-1), starts, jnp.zeros_like(starts))
    last_values = closes[..., -1]
    # tf.math.divide_no_nan: 0 where denominator is 0
    safe_starts = jnp.where(starts != 0.0, starts, jnp.ones_like(starts))
    performances = jnp.where(starts != 0.0, (last_values - starts) / safe_starts, jnp.zeros_like(starts))
    # tf.argsort(..., direction='DESCENDING') along the ticker axis
    orders = jnp.argsort(-performances, axis=-1)
    # tf.gather(elem, orders, batch_dims=1) for each tuple element
    out0 = jnp.take_along_axis(in0, orders[:, :, None], axis=1)
    out1 = jnp.take_along_axis(in1, orders[:, :, None], axis=1)
    out2 = jnp.take_along_axis(ochlv, orders[:, :, None, None], axis=1)
    return ((out0, out1, out2), orders)

if __name__ == "__main__":
    import jax
    _d = setup_inputs()
    print(jax.jit(kernel)(*tuple(_d.values())))

</pallas_src>

<mosaic_0001>
module attributes {stable_mosaic.version = 14 : i64} {
  func.func @_arranger_body(%arg0: i32, %arg1: memref<1x512x256xf32, #tpu.memory_space<vmem>>, %arg2: memref<1x512x1280xf32, #tpu.memory_space<vmem>>, %arg3: memref<1x512x64xf32, #tpu.memory_space<vmem>>, %arg4: memref<1x512x64xf32, #tpu.memory_space<vmem>>, %arg5: memref<1x512x64xf32, #tpu.memory_space<vmem>>, %arg6: memref<1x512x64xf32, #tpu.memory_space<vmem>>, %arg7: memref<1x512x1280xf32, #tpu.memory_space<vmem>>, %arg8: memref<1x512x1xi32, #tpu.memory_space<vmem>>) attributes {dimension_semantics = [#tpu.dimension_semantics<parallel>], iteration_bounds = array<i64: 16>, scalar_prefetch = 0 : i64, scratch_operands = 0 : i64, tpu.core_type = #tpu.core_type<tc>, window_params = [{transform_indices = @transform_0, window_bounds = array<i64: 1, 512, 256>}, {transform_indices = @transform_1, window_bounds = array<i64: 1, 512, 1280>}, {transform_indices = @transform_2, window_bounds = array<i64: 1, 512, 64>}, {transform_indices = @transform_3, window_bounds = array<i64: 1, 512, 64>}, {transform_indices = @transform_4, window_bounds = array<i64: 1, 512, 64>}, {transform_indices = @transform_5, window_bounds = array<i64: 1, 512, 64>}, {transform_indices = @transform_6, window_bounds = array<i64: 1, 512, 1280>}, {transform_indices = @transform_7, window_bounds = array<i64: 1, 512, 1>}]} {
    %get3A = arith.constant 0 : index
    %get3A_0 = arith.constant 0 : index
    %get3A_1 = arith.constant 0 : index
    %get3A_2 = vector.load %arg1[%get3A, %get3A_0, %get3A_1] : memref<1x512x256xf32, #tpu.memory_space<vmem>>, vector<1x512x256xf32>
    %get3A_3 = vector.shape_cast %get3A_2 : vector<1x512x256xf32> to vector<512x256xf32>
    %ne3A = arith.constant 0.000000e+00 : f32
    %ne3A_4 = vector.broadcast %ne3A : f32 to vector<512x256xf32>
    %ne3A_5 = arith.cmpf one, %get3A_3, %ne3A_4 : vector<512x256xf32>
    %iota3A = tpu.iota {dimensions = array<i32: 1>} : vector<512x256xi32>
    %jit3A = arith.constant 256 : i32
    %broadcast_in_dim3A = vector.broadcast %jit3A : i32 to vector<512x256xi32>
    %select_n3A = arith.select %ne3A_5, %iota3A, %broadcast_in_dim3A : vector<512x256xi1>, vector<512x256xi32>
    %reduce_min3A = arith.constant dense<2147483647> : vector<512xi32>
    %reduce_min3A_6 = vector.multi_reduction <minsi>, %select_n3A, %reduce_min3A [1] : vector<512x256xi32> to vector<512xi32>
    %broadcast_in_dim3A_7 = vector.shape_cast %reduce_min3A_6 : vector<512xi32> to vector<512x1xi32>
    %eq3A = vector.broadcast %broadcast_in_dim3A_7 : vector<512x1xi32> to vector<512x256xi32>
    %eq3A_8 = arith.cmpi eq, %iota3A, %eq3A : vector<512x256xi32>
    %jit3A_9 = arith.constant 0.000000e+00 : f32
    %broadcast_in_dim3A_10 = vector.broadcast %jit3A_9 : f32 to vector<512x256xf32>
    %select_n3A_11 = arith.select %eq3A_8, %get3A_3, %broadcast_in_dim3A_10 : vector<512x256xi1>, vector<512x256xf32>
    %reduce_sum3A = arith.constant dense<0.000000e+00> : vector<512xf32>
    %reduce_sum3A_12 = vector.multi_reduction <add>, %select_n3A_11, %reduce_sum3A [1] : vector<512x256xf32> to vector<512xf32>
    %broadcast_in_dim3A_13 = vector.shape_cast %reduce_sum3A_12 : vector<512xf32> to vector<512x1xf32>
    %slice3A = vector.extract_strided_slice %get3A_3 {offsets = [0, 255], sizes = [512, 1], strides = [1, 1]} : vector<512x256xf32> to vector<512x1xf32>
    %ne3A_14 = arith.constant 0.000000e+00 : f32
    %ne3A_15 = vector.broadcast %ne3A_14 : f32 to vector<512x1xf32>
    %ne3A_16 = arith.cmpf one, %broadcast_in_dim3A_13, %ne3A_15 : vector<512x1xf32>
    %sub3A = arith.subf %slice3A, %broadcast_in_dim3A_13 : vector<512x1xf32>
    %div3A = arith.divf %sub3A, %broadcast_in_dim3A_13 : vector<512x1xf32>
    %broadcast_in_dim3A_17 = arith.constant 0.000000e+00 : f32
    %broadcast_in_dim3A_18 = vector.broadcast %broadcast_in_dim3A_17 : f32 to vector<512x1xf32>
    %select_n3A_19 = arith.select %ne3A_16, %div3A, %broadcast_in_dim3A_18 : vector<512x1xi1>, vector<512x1xf32>
    %iota3A_20 = tpu.iota {dimensions = array<i32: 0>} : vector<512x512xi32>
    %iota3A_21 = tpu.iota {dimensions = array<i32: 1>} : vector<512x512xi32>
    %eq3A_22 = arith.cmpi eq, %iota3A_20, %iota3A_21 : vector<512x512xi32>
    %convert_element_type3A = arith.extui %eq3A_22 : vector<512x512xi1> to vector<512x512xi32>
    %convert_element_type3A_23 = arith.sitofp %convert_element_type3A : vector<512x512xi32> to vector<512x512xf32>
    %dot_general3A = arith.constant dense<0.000000e+00> : vector<1x512xf32>
    %dot_general3A_24 = tpu.matmul %select_n3A_19, %convert_element_type3A_23, %dot_general3A {dimension_numbers = #tpu.dot_dimension_numbers<[0], [0], [1], [1], [0, 1, 1, 1], [], []>, precision = #tpu.contract_precision<fp32>, transpose_lhs_hint = false} : vector<512x1xf32>, vector<512x512xf32>, vector<1x512xf32> -> vector<1x512xf32>
    %broadcast_in_dim3A_25 = vector.shape_cast %select_n3A_19 : vector<512x1xf32> to vector<512x1xf32>
    %broadcast_in_dim3A_26 = vector.broadcast %broadcast_in_dim3A_25 : vector<512x1xf32> to vector<512x512xf32>
    %broadcast_in_dim3A_27 = vector.shape_cast %dot_general3A_24 : vector<1x512xf32> to vector<1x512xf32>
    %broadcast_in_dim3A_28 = vector.broadcast %broadcast_in_dim3A_27 : vector<1x512xf32> to vector<512x512xf32>
    %gt3A = arith.cmpf ogt, %broadcast_in_dim3A_26, %broadcast_in_dim3A_28 : vector<512x512xf32>
    %eq3A_29 = arith.cmpf oeq, %broadcast_in_dim3A_26, %broadcast_in_dim3A_28 : vector<512x512xf32>
    %lt3A = arith.cmpi slt, %iota3A_20, %iota3A_21 : vector<512x512xi32>
    %and3A = arith.andi %eq3A_29, %lt3A : vector<512x512xi1>
    %or3A = arith.ori %gt3A, %and3A : vector<512x512xi1>
    %convert_element_type3A_30 = arith.extui %or3A : vector<512x512xi1> to vector<512x512xi32>
    %convert_element_type3A_31 = arith.sitofp %convert_element_type3A_30 : vector<512x512xi32> to vector<512x512xf32>
    %reduce_sum3A_32 = arith.constant dense<0.000000e+00> : vector<512xf32>
    %reduce_sum3A_33 = vector.multi_reduction <add>, %convert_element_type3A_31, %reduce_sum3A_32 [0] : vector<512x512xf32> to vector<512xf32>
    %broadcast_in_dim3A_34 = vector.shape_cast %reduce_sum3A_33 : vector<512xf32> to vector<1x512xf32>
    %convert_element_type3A_35 = arith.fptosi %broadcast_in_dim3A_34 : vector<1x512xf32> to vector<1x512xi32>
    %broadcast_in_dim3A_36 = vector.shape_cast %convert_element_type3A_35 : vector<1x512xi32> to vector<1x512xi32>
    %broadcast_in_dim3A_37 = vector.broadcast %broadcast_in_dim3A_36 : vector<1x512xi32> to vector<512x512xi32>
    %eq3A_38 = arith.cmpi eq, %broadcast_in_dim3A_37, %iota3A_20 : vector<512x512xi32>
    %convert_element_type3A_39 = arith.extui %eq3A_38 : vector<512x512xi1> to vector<512x512xi32>
    %convert_element_type3A_40 = arith.sitofp %convert_element_type3A_39 : vector<512x512xi32> to vector<512x512xf32>
    %iota3A_41 = tpu.iota {dimensions = array<i32: 0>} : vector<512x1xi32>
    %convert_element_type3A_42 = arith.sitofp %iota3A_41 : vector<512x1xi32> to vector<512x1xf32>
    %dot_general3A_43 = arith.constant dense<0.000000e+00> : vector<512x1xf32>
    %dot_general3A_44 = tpu.matmul %convert_element_type3A_40, %convert_element_type3A_42, %dot_general3A_43 {dimension_numbers = #tpu.dot_dimension_numbers<[1], [0], [0], [1], [0, 0, 1, 1], [], []>, precision = #tpu.contract_precision<fp32>, transpose_lhs_hint = false} : vector<512x512xf32>, vector<512x1xf32>, vector<512x1xf32> -> vector<512x1xf32>
    %convert_element_type3A_45 = arith.fptosi %dot_general3A_44 : vector<512x1xf32> to vector<512x1xi32>
    %swap3A = arith.constant 0 : index
    %swap3A_46 = arith.constant 0 : index
    %swap3A_47 = arith.constant 0 : index
    %swap3A_48 = vector.load %arg8[%swap3A, %swap3A_46, %swap3A_47] : memref<1x512x1xi32, #tpu.memory_space<vmem>>, vector<1x512x1xi32>
    %swap3A_49 = vector.shape_cast %swap3A_48 : vector<1x512x1xi32> to vector<512x1xi32>
    %swap3A_50 = vector.shape_cast %convert_element_type3A_45 : vector<512x1xi32> to vector<1x512x1xi32>
    tpu.vector_store %arg8[%swap3A, %swap3A_46, %swap3A_47], %swap3A_50 {strides = array<i32>} : memref<1x512x1xi32, #tpu.memory_space<vmem>>, vector<1x512x1xi32>,
    %get3A_51 = arith.constant 0 : index
    %get3A_52 = arith.constant 0 : index
    %get3A_53 = arith.constant 0 : index
    %get3A_54 = vector.load %arg3[%get3A_51, %get3A_52, %get3A_53] : memref<1x512x64xf32, #tpu.memory_space<vmem>>, vector<1x512x64xf32>
    %get3A_55 = vector.shape_cast %get3A_54 : vector<1x512x64xf32> to vector<512x64xf32>
    %dot_general3A_56 = arith.constant dense<0.000000e+00> : vector<512x64xf32>
    %dot_general3A_57 = tpu.matmul %convert_element_type3A_40, %get3A_55, %dot_general3A_56 {dimension_numbers = #tpu.dot_dimension_numbers<[1], [0], [0], [1], [0, 0, 1, 1], [], []>, precision = #tpu.contract_precision<fp32>, transpose_lhs_hint = false} : vector<512x512xf32>, vector<512x64xf32>, vector<512x64xf32> -> vector<512x64xf32>
    %swap3A_58 = arith.constant 0 : index
    %swap3A_59 = arith.constant 0 : index
    %swap3A_60 = arith.constant 0 : index
    %swap3A_61 = vector.load %arg5[%swap3A_58, %swap3A_59, %swap3A_60] : memref<1x512x64xf32, #tpu.memory_space<vmem>>, vector<1x512x64xf32>
    %swap3A_62 = vector.shape_cast %swap3A_61 : vector<1x512x64xf32> to vector<512x64xf32>
    %swap3A_63 = vector.shape_cast %dot_general3A_57 : vector<512x64xf32> to vector<1x512x64xf32>
    tpu.vector_store %arg5[%swap3A_58, %swap3A_59, %swap3A_60], %swap3A_63 {strides = array<i32>} : memref<1x512x64xf32, #tpu.memory_space<vmem>>, vector<1x512x64xf32>,
    %get3A_64 = arith.constant 0 : index
    %get3A_65 = arith.constant 0 : index
    %get3A_66 = arith.constant 0 : index
    %get3A_67 = vector.load %arg4[%get3A_64, %get3A_65, %get3A_66] : memref<1x512x64xf32, #tpu.memory_space<vmem>>, vector<1x512x64xf32>
    %get3A_68 = vector.shape_cast %get3A_67 : vector<1x512x64xf32> to vector<512x64xf32>
    %dot_general3A_69 = arith.constant dense<0.000000e+00> : vector<512x64xf32>
    %dot_general3A_70 = tpu.matmul %convert_element_type3A_40, %get3A_68, %dot_general3A_69 {dimension_numbers = #tpu.dot_dimension_numbers<[1], [0], [0], [1], [0, 0, 1, 1], [], []>, precision = #tpu.contract_precision<fp32>, transpose_lhs_hint = false} : vector<512x512xf32>, vector<512x64xf32>, vector<512x64xf32> -> vector<512x64xf32>
    %swap3A_71 = arith.constant 0 : index
    %swap3A_72 = arith.constant 0 : index
    %swap3A_73 = arith.constant 0 : index
    %swap3A_74 = vector.load %arg6[%swap3A_71, %swap3A_72, %swap3A_73] : memref<1x512x64xf32, #tpu.memory_space<vmem>>, vector<1x512x64xf32>
    %swap3A_75 = vector.shape_cast %swap3A_74 : vector<1x512x64xf32> to vector<512x64xf32>
    %swap3A_76 = vector.shape_cast %dot_general3A_70 : vector<512x64xf32> to vector<1x512x64xf32>
    tpu.vector_store %arg6[%swap3A_71, %swap3A_72, %swap3A_73], %swap3A_76 {strides = array<i32>} : memref<1x512x64xf32, #tpu.memory_space<vmem>>, vector<1x512x64xf32>,
    %get3A_77 = arith.constant 0 : index
    %get3A_78 = arith.constant 0 : index
    %get3A_79 = arith.constant 0 : index
    %get3A_80 = vector.load %arg2[%get3A_77, %get3A_78, %get3A_79] : memref<1x512x1280xf32, #tpu.memory_space<vmem>>, vector<1x512x1280xf32>
    %get3A_81 = vector.shape_cast %get3A_80 : vector<1x512x1280xf32> to vector<512x1280xf32>
    %dot_general3A_82 = arith.constant dense<0.000000e+00> : vector<512x1280xf32>
    %dot_general3A_83 = tpu.matmul %convert_element_type3A_40, %get3A_81, %dot_general3A_82 {dimension_numbers = #tpu.dot_dimension_numbers<[1], [0], [0], [1], [0, 0, 1, 1], [], []>, precision = #tpu.contract_precision<fp32>, transpose_lhs_hint = false} : vector<512x512xf32>, vector<512x1280xf32>, vector<512x1280xf32> -> vector<512x1280xf32>
    %swap3A_84 = arith.constant 0 : index
    %swap3A_85 = arith.constant 0 : index
    %swap3A_86 = arith.constant 0 : index
    %swap3A_87 = vector.load %arg7[%swap3A_84, %swap3A_85, %swap3A_86] : memref<1x512x1280xf32, #tpu.memory_space<vmem>>, vector<1x512x1280xf32>
    %swap3A_88 = vector.shape_cast %swap3A_87 : vector<1x512x1280xf32> to vector<512x1280xf32>
    %swap3A_89 = vector.shape_cast %dot_general3A_83 : vector<512x1280xf32> to vector<1x512x1280xf32>
    tpu.vector_store %arg7[%swap3A_84, %swap3A_85, %swap3A_86], %swap3A_89 {strides = array<i32>} : memref<1x512x1280xf32, #tpu.memory_space<vmem>>, vector<1x512x1280xf32>,
    return
  }
  func.func @transform_0(%arg0: i32) -> (i32, i32, i32) {
    %c0_i32 = arith.constant 0 : i32
    %c0_i32_0 = arith.constant 0 : i32
    %c0_i32_1 = arith.constant 0 : i32
    return %arg0, %c0_i32, %c0_i32_0 : i32, i32, i32
  }
  func.func @transform_1(%arg0: i32) -> (i32, i32, i32) {
    %c0_i32 = arith.constant 0 : i32
    %c0_i32_0 = arith.constant 0 : i32
    %c0_i32_1 = arith.constant 0 : i32
    return %arg0, %c0_i32, %c0_i32_0 : i32, i32, i32
  }
  func.func @transform_2(%arg0: i32) -> (i32, i32, i32) {
    %c0_i32 = arith.constant 0 : i32
    %c0_i32_0 = arith.constant 0 : i32
    %c0_i32_1 = arith.constant 0 : i32
    return %arg0, %c0_i32, %c0_i32_0 : i32, i32, i32
  }
  func.func @transform_3(%arg0: i32) -> (i32, i32, i32) {
    %c0_i32 = arith.constant 0 : i32
    %c0_i32_0 = arith.constant 0 : i32
    %c0_i32_1 = arith.constant 0 : i32
    return %arg0, %c0_i32, %c0_i32_0 : i32, i32, i32
  }
  func.func @transform_4(%arg0: i32) -> (i32, i32, i32) {
    %c0_i32 = arith.constant 0 : i32
    %c0_i32_0 = arith.constant 0 : i32
    %c0_i32_1 = arith.constant 0 : i32
    return %arg0, %c0_i32, %c0_i32_0 : i32, i32, i32
  }
  func.func @transform_5(%arg0: i32) -> (i32, i32, i32) {
    %c0_i32 = arith.constant 0 : i32
    %c0_i32_0 = arith.constant 0 : i32
    %c0_i32_1 = arith.constant 0 : i32
    return %arg0, %c0_i32, %c0_i32_0 : i32, i32, i32
  }
  func.func @transform_6(%arg0: i32) -> (i32, i32, i32) {
    %c0_i32 = arith.constant 0 : i32
    %c0_i32_0 = arith.constant 0 : i32
    %c0_i32_1 = arith.constant 0 : i32
    return %arg0, %c0_i32, %c0_i32_0 : i32, i32, i32
  }
  func.func @transform_7(%arg0: i32) -> (i32, i32, i32) {
    %c0_i32 = arith.constant 0 : i32
    %c0_i32_0 = arith.constant 0 : i32
    %c0_i32_1 = arith.constant 0 : i32
    return %arg0, %c0_i32, %c0_i32_0 : i32, i32, i32
  }
}

</mosaic_0001>

<sc_bundles>
// kernel: sparse-core-data-format-call.cloned.1.call-start
scs
called_computation_lowered:
.L_overlay_start_0:
0x0: {  	s2 =	sld [smem:$0x3FD9]  }
0x1: {  	s3 =	sld [smem:$0x3FFE];
	_ =	sdelay $0x1  }
0x2: {  	s1 =	srdreg.scid  }
0x3: {  	s0 =	sand.u32 $0x1, s1  }
0x4: {  	s15 =	sshll.u32 s0, $0xA;
	s2 =	sadd.s32 s3, s2  }
0x5: {  	s2 =	sadd.s32 s2, s15  }
0x6: {  	[smem:$0x3FC5] =	sst s2  }
0x7: {  	_ = 	snop  }
0x8: {  	s2 =	sld [smem:$0x3FD0];
	_ =	sdelay $0x2  }
0x9: {  	s16 =	simm.s32 $0xA;
	s4 =	simm.s32 $0x10  }
0xa: {  	[smem:s4], [sflag:s16] =	dma.local [hbm:s2], $0x1  }
0xb: {  	_ =	swait.eq [sflag:s16], $0x1  }
0xc: {  	[sflag:s16] =	ssyncset.done $0x0  }
0xd: {  	[sflag:s16] =	ssyncadd.s32 $0xFFFFFFFF  }
0xe: {  	s17 =	sld [smem:$0x12];
	(tm) =	ssettm $0x1  }
0xf: {  	s18 =	sld [smem:$0x3FFB];
	_ =	sdelay $0x3  }
0x10: {  	_ =	strace s18  }
0x11: {  	s3 =	sld [smem:$0x3FFC];
	_ =	sdelay $0x3  }
0x12: {  	_ =	strace s3  }
0x13: {  	s3 =	sld [smem:$0x3FFD];
	_ =	sdelay $0x3  }
0x14: {  	_ =	strace s3  }
0x15: {  	_ =	strace $0x8FFFFFFF  }
0x16: {  	s19 =	sld [smem:$0x3FDB];
	_ =	sdelay $0x1  }
0x17: {  	s20 =	simm.s32 $_scs_section_size  }
0x18: {  	s5 =	simm.s32 $_size__tile_overlayer_lowered;
	s6 =	simm.s32 $_tile_overlayer_lowered  }
0x19: {  	s23 =	simm.s32 $0x1BFF;
	s22 =	sshll.u32 s6, $0x1;
	s3 =	sadd.s32 s20, s19  }
0x1a: {  	s7 =	simm.s32 $0x0;
	s21 =	sshll.u32 s5, $0x1;
	s5 =	sadd.s32 s22, s3  }
0x1b: {  	[timem:s7], [sflag:s23] =	dma.local [hbm:s5], s21  }
0x1c: {  	_ =	swait.ge [sflag:s23], s21  }
0x1d: {  	s4 =	ssub.s32 $0x0, s21;
	[sflag:s23] =	ssyncset.done $0x0  }
0x1e: {  	[sflag:s23] =	ssyncadd.s32 s4;
	_ =	sdelay $0x1  }
0x1f: {  	s24 =	simm.s32 $0x1B8B  }
0x20: {  	_ =	swait.ge [sflag:s24], $0x1  }
0x21: {  	[sflag:s24] =	ssyncset.done $0x0  }
0x22: {  	s26 =	simm.s32 $0x1B8E;
	s25 =	sld [smem:$0x3FFE];
	[sflag:s24] =	ssyncadd.s32 $0xFFFFFFFF  }
0x23: {  	s27 =	simm.s32 $execute0_lowered;
	[smem:$0x3FD2] =	sst s26  }
0x24: {  	s5 =	sshll.u32 s27, $0x1;
	_ =	strace $0x80000046;
	[dreg:$0x1] =	wrdreg $0xFFFFFFFF  }
0x25: {  	s28 =	simm.s32 $_size_execute0_lowered;
	s3 =	sadd.s32 s3, s5;
	[dreg:$0x0] =	wrdreg $0x0  }
0x26: {  	s5 =	sshll.u32 s28, $0x1;
	[dreg:$0x2] =	wrdreg s3  }
0x27: {  	[dreg:$0x3] =	wrdreg s5  }
0x28: {  	[dreg:$0x4] =	wrdreg $0xC0  }
0x29: {  	_ =	task [dreg:s7], $0x5FFFF  }
0x2a: {  	[dreg:$0x1] =	wrdreg $0xFFFFFFFF  }
0x2b: {  	[dreg:$0x0] =	wrdreg $0x60  }
0x2c: {  	[dreg:$0x2] =	wrdreg s25  }
0x2d: {  	[dreg:$0x3] =	wrdreg s17  }
0x2e: {  	[dreg:$0x4] =	wrdreg $0x9  }
0x2f: {  	_ =	task.clear_ibuf [dreg:s7], $0x5FFFF;
	_ =	strace $0x90000046  }
0x30: {  	s29 =	simm.s32 $0x9;
	_ =	strace $0x80000048  }
0x31: {  	_ =	swait.ge [sflag:s29], $0x1  }
0x32: {  	[sflag:s29] =	ssyncadd.s32 $0xFFFFFFFF  }
0x33: {  	_ =	strace $0x90000048  }
0x34: {  	_ =	sfence  }
0x35: {  	s30 =	sld [smem:$0x0];
	_ =	sdelay $0x2  }
0x36: {  	s31 =	sshll.u32 s1, $0xD;
	s1 =	sshrl.u32 s1, $0x2  }
0x37: {  	s3 =	sand.u32 $0x4000, s31;
	s1 =	sadd.s32 s1, s30  }
0x38: {  	s0 =	sor.u32 s3, s0;
	s1 =	sshll.u32 s1, $0x11  }
0x39: {  	s0 =	sor.u32 s1, s0  }
0x3a: {  	s0 =	sadd.s32 $0x8F2B, s0  }
0x3b: {  	[sflag:s0] =	ssyncadd.remote.s32 $0x1  }
0x3c: {  	_ =	sfence.sel $0xFFFF  }
0x3d: {  	[dreg:$0x0] =	wrdreg $0xFFFFFFFF;
	(pc) =	sbr.abs _section_cstart, $3  }
0x3e: {  	[dreg:$0x1] =	wrdreg $0xFFFFFFFF  }
0x3f: {  	_ =	task.clear_ibuf [dreg:s7], $0x2FFFF;
	_ =	strace $0x9FFFFFFF  }
0x40: {  	(tm) =	ssettm $0x7FFFFFFF  }
0x41: {  	_ =	shalt  }
tec
execute0_lowered:
.L_overlay_start_1:
0x0: {  	(tag) =	ssettag $0x1  }
0x1: {  	s4 =	rddreg [dreg:$0x0]  }
0x2: {  	s0 =	stileid.u32;
	s2 =	rddreg [dreg:$0x1]  }
0x3: {  	s7 =	srdreg.scid;
	s8 =	simm.s32 $0x2;
	s18 =	simm.s32 $0x0  }
0x4: {  	p0 =	por $0x0, $0x0;
	s9 =	simm.s32 $0x800;
	s16 =	simm.s32 $0x0  }
0x5: {  	s17 =	simm.s32 $0x0;
	s15 =	simm.s32 $0x0;
	s1 =	sshll.u32 s0, $0x7  }
0x6: {  	s10 =	simm.s32 $0x0;
	s12 =	simm.s32 $0x0;
	s3 =	sand.u32 $0x80, s1  }
0x7: {  	s14 =	simm.s32 $0x0;
	s4 =	sadd.s32 $0x600, s4;
	s5 =	ssub.s32 $0x100, s3  }
0x8: {  	s7 =	sshll.u32 s7, $0x4;
	s1 =	rddreg [dreg:$0x2];
	s6 =	sshrl.u32 s5, $0x7  }
.Ltmp0:
0x9: {  	s5 =	sshrl.u32 s5, $0x8;
	s6 =	sand.u32 $0x1, s6;
	(pc) =	sbr.rel .LBB1_1-.Ltmp0, $4  }
0xa: {  	_ =	strace $0x80000047;
	s7 =	sand.u32 $0x10, s7;
	s6 =	sadd.s32 s5, s6  }
0xb: {  	s7 =	sor.u32 s0, s7;
	s5 =	simm.s32 $0x1;
	s6 =	smul.u32 $0x14, s6  }
0xc: {  	s13 =	smov.u32 s3;
	s7 =	sshrl.u32 s7, $0x1;
	[sflag:s5] =	ssyncpa.u1 $0x0  }
0xd: {  	s11 =	smov.u32 s7;
	[sflag:s8] =	ssyncpa.u1 $0x0;
	s8 =	sor.u32 $0x1, s6  }
.LBB1_4:
0xe: {  	v5 =	vld [tilespmem:s20+$0xFFFFFFD0];
	[tilespmem:s22+$0x2040 ss:$0x81] =	vst.msk $0xffff, v2  }
0xf: {  	v58 =	vld [tilespmem:s20+$0xFFFFFFE0];
	[tilespmem:s22+$0x2850 ss:$0x81] =	vst.msk $0xffff, v3  }
0x10: {  	s23 =	sshra.s32 s23, $0x2;
	v59 =	vld [tilespmem:s20+$0xFFFFFFF0];
	[tilespmem:s22+$0x3060 ss:$0x81] =	vst.msk $0xffff, v4  }
0x11: {  	v60 =	vld [tilespmem:s20+$0x0];
	[tilespmem:s22+$0x0 ss:$0x81] =	vst.msk $0xffff, v0;
	s21 =	sadd.s32 s23, s21  }
0x12: {  	s24 =	sshll.u32 s18, $0x8;
	s25 =	sshll.u32 s15, $0x3;
	v61 =	vld [tilespmem:s20+$0x10];
	s26 =	sshll.u32 s18, $0x7;
	[tilespmem:s21+$0x3870 ss:$0x81] =	vst.msk $0xffff, v1  }
0x13: {  	v62 =	vld [tilespmem:s20+$0x20];
	s28 =	sand.u32 $0x78, s15;
	s16 =	smul.u32 $0x14000, s16;
	s17 =	sshll.u32 s17, $0xE;
	[tilespmem:s21+$0x810 ss:$0x81] =	vst.msk $0xffff, v5  }
0x14: {  	v63 =	vld [tilespmem:s20+$0xFFFFFFC0];
	s30 =	sand.u32 $0x7, s15;
	s22 =	sand.u32 $0x1F800, s24;
	s23 =	sand.u32 $0x1FC00, s25;
	[tilespmem:s21+$0x1020 ss:$0x81] =	vst.msk $0xffff, v58  }
0x15: {  	s27 =	sand.u32 $0x300, s26;
	s18 =	sand.u32 $0x80, s26;
	s22 =	sadd.s32 s23, s22;
	[tilespmem:s21+$0x1830 ss:$0x81] =	vst.msk $0xffff, v59  }
0x16: {  	s17 =	sadd.s32 s2, s17;
	s18 =	sor.u32 s28, s18;
	s22 =	sor.u32 s27, s22;
	[tilespmem:s21+$0x2040 ss:$0x81] =	vst.msk $0xffff, v60  }
0x17: {  	s16 =	sadd.s32 s16, s17;
	s18 =	sshrl.u32 s18, $0x3;
	s29 =	sshrl.u32 s22, $0x3;
	[tilespmem:s21+$0x2850 ss:$0x81] =	vst.msk $0xffff, v61  }
0x18: {  	s15 =	sshll.u32 s30, $0x12;
	s16 =	sadd.s32 s18, s16;
	[tilespmem:s21+$0x3060 ss:$0x81] =	vst.msk $0xffff, v62;
	s31 =	sand.u32 $0x3FE0, s29  }
0x19: {  	s15 =	sor.u32 $0x400, s15;
	[tilespmem:s21+$0x0 ss:$0x81] =	vst.msk $0xffff, v63;
	s16 =	sadd.s32 s31, s16  }
0x1a: {  	[hbm4b:s16+s15] =	stream.strided.scatter [tilespmem:s19], [sflag:$0x2], $0x4000, s9, s15, $0x20;
	[tilespmem:$0x10100] =	vst v63  }
.LBB1_5:
0x1b: {  	s19 =	sadd.s32 $0x80, s10  }
0x1c: {  	s15 =	sadd.s32 $0x10, s11;
	s20 =	smov.u32 s11;
	p2 =	sgt.s32 s19, $0x1FF  }
0x1d: {  	s20 =	smov.u32 @p2 s15  }
0x1e: {  	s15 =	simm.s32 $0x1;
	p3 =	sgt.s32 s20, $0xF  }
0x1f: {  	s15 =	simm.s32 @!p3 $0x0  }
0x20: {  	s21 =	sadd.s32 s15, s12  }
0x21: {  	s22 =	smov.u32 s13;
	s15 =	sadd.s32 $0x100, s13;
	p4 =	sgt.s32 s21, $0x4  }
0x22: {  	p1 =	slt.u32 s14, $0x2;
	s22 =	smov.u32 @p4 s15  }
0x23: {  	s18 =	smov.u32 s10;
	s19 =	simm.s32 @p2 $0x0;
	p2 =	sgt.s32 s22, $0xFF  }
0x24: {  	s23 =	simm.s32 @!p1 $0x2;
	s22 =	smov.u32 @p2 s3;
	p2 =	sne.s32 s14, s8  }
.Ltmp1:
0x25: {  	s16 =	smov.u32 s11;
	_ =	swait.ge @!p1 [sflag:s23], $0x4000;
	(pc) =	sbr.rel @!p2 .LBB1_6-.Ltmp1, $4  }
0x26: {  	s17 =	smov.u32 s12;
	p0 =	por !p0, !p0;
	[sflag:s23] =	ssyncset.done @!p1 $0x0  }
0x27: {  	s10 =	smov.u32 s19;
	s20 =	smov.u32 @p3 s7;
	[sflag:s23] =	ssyncadd.s32 @!p1 $0xFFFFC000  }
0x28: {  	s11 =	smov.u32 s20;
	s21 =	simm.s32 @p4 $0x0;
	s15 =	smov.u32 s13  }
0x29: {  	s12 =	smov.u32 s21;
	s14 =	sadd.s32 $0x1, s14;
	s13 =	smov.u32 s22  }
.LBB1_1:
0x2a: {  	p1 =	sge.u32 s14, s6;
	s31 =	sadd.s32 $0xFFFFFFFF, s14  }
0x2b: {  	s19 =	sxor.u32 @!p1 $0xFFFFFFFF, s14;
	s20 =	sshll.u32 @!p1 s11, $0x9;
	s21 =	sshll.u32 @!p1 s10, $0x3  }
0x2c: {  	s22 =	sand.u32 @!p1 $0x78, s10;
	s20 =	sand.u32 @!p1 $0x1000, s20;
	s21 =	sand.u32 @!p1 $0x1C00, s21  }
0x2d: {  	s24 =	smul.u32 @!p1 $0x1400, s13;
	s20 =	sadd.s32 @!p1 s20, s21;
	s21 =	sshll.u32 @!p1 s11, $0x7  }
0x2e: {  	s19 =	sshll.u32 @!p1 s19, $0xE;
	s23 =	sand.u32 @!p1 $0x200, s21;
	s21 =	sand.u32 @!p1 $0x180, s21  }
0x2f: {  	s19 =	sand.u32 @!p1 $0x4000, s19;
	s20 =	sor.u32 @!p1 s23, s20;
	s21 =	sor.u32 @!p1 s22, s21  }
0x30: {  	s22 =	sshll.u32 @!p1 s12, $0xA;
	s23 =	sadd.s32 @!p1 s4, s24;
	s20 =	sshrl.u32 @!p1 s20, $0x3  }
0x31: {  	s21 =	sshrl.u32 @!p1 s21, $0x3;
	s22 =	sadd.s32 @!p1 s22, s23;
	s23 =	sand.u32 @!p1 $0x7, s10  }
0x32: {  	s20 =	sand.u32 @!p1 $0x3C0, s20;
	s21 =	sadd.s32 @!p1 s21, s22;
	s22 =	sshll.u32 @!p1 s23, $0x12  }
0x33: {  	s20 =	sadd.s32 @!p1 s20, s21;
	s21 =	sor.u32 @!p1 $0x80, s22;
	s22 =	simm.s32 @!p1 $0xA000  }
0x34: {  	[tilespmem:s19], [sflag:$0x1] =	stream.strided.gather @!p1 [hbm4b:s20+s21], $0x4000, s22, s21, $0x38;
	[tilespmem:$0x10100] =	vst v63  }
0x35: {  	p1 =	sge.u32 s31, s6  }
.Ltmp2:
0x36: {  	_ = 	snop;
	(pc) =	sbr.rel @p1 .LBB1_5-.Ltmp2, $1  }
0x37: {  	_ =	sdelay $0x3  }
0x38: {  	s19 =	simm.s32 $0x1  }
0x39: {  	_ =	swait.ge [sflag:s5], $0x4000;
	s19 =	simm.s32 @!p0 $0x0  }
0x3a: {  	[sflag:s5] =	ssyncset.done $0x0;
	s20 =	sshll.u32 s19, $0xE  }
0x3b: {  	[sflag:s5] =	ssyncadd.s32 $0xFFFFC000;
	s20 =	sor.u32 $0x40, s20  }
0x3c: {  	s19 =	smul.u32 $0x10200, s19;
	v0 =	vld [tilespmem:s20+$0x30]  }
0x3d: {  	v1 =	vld [tilespmem:s20+$0xFFFFFFD0]  }
0x3e: {  	s19 =	sshrl.u32 s19, $0x2;
	v5 =	vld [tilespmem:s20+$0xFFFFFFE0]  }
0x3f: {  	v6 =	vld [tilespmem:s20+$0xFFFFFFF0];
	s21 =	sor.u32 $0x8000, s19  }
0x40: {  	s31 =	sand.u32 $0x1, s14;
	v2 =	vld [tilespmem:s20+$0x0];
	s22 =	sadd.s32 $0x0, s21  }
0x41: {  	v3 =	vld [tilespmem:s20+$0x10];
	s19 =	smul.u32 $0x10200, s31;
	[tilespmem:s22+$0x3870 ss:$0x81] =	vst.msk $0xffff, v0  }
0x42: {  	v4 =	vld [tilespmem:s20+$0x20];
	[tilespmem:s22+$0x810 ss:$0x81] =	vst.msk $0xffff, v1  }
0x43: {  	s19 =	sshrl.u32 s19, $0x2;
	v0 =	vld [tilespmem:s20+$0xFFFFFFC0];
	[tilespmem:s22+$0x1020 ss:$0x81] =	vst.msk $0xffff, v5;
	s20 =	sadd.s32 $0x80, s20  }
0x44: {  	s23 =	simm.s32 $0x4;
	s24 =	simm.s32 $0x8;
	s19 =	sor.u32 $0x8000, s19;
	[tilespmem:s22+$0x1830 ss:$0x81] =	vst.msk $0xffff, v6;
	v1 =	vld [tilespmem:s20+$0x30]  }
.LBB1_3:
0x45: {  	p1 =	sne.s32 s24, $0x1FC;
	v5 =	vld [tilespmem:s20+$0xFFFFFFD0];
	[tilespmem:s22+$0x2040 ss:$0x81] =	vst.msk $0xffff, v2  }
0x46: {  	v6 =	vld [tilespmem:s20+$0xFFFFFFE0];
	[tilespmem:s22+$0x2850 ss:$0x81] =	vst.msk $0xffff, v3  }
0x47: {  	s25 =	sshra.s32 s23, $0x2;
	s23 =	smov.u32 s24;
	v7 =	vld [tilespmem:s20+$0xFFFFFFF0];
	[tilespmem:s22+$0x3060 ss:$0x81] =	vst.msk $0xffff, v4  }
.Ltmp3:
0x48: {  	v2 =	vld [tilespmem:s20+$0x0];
	[tilespmem:s22+$0x0 ss:$0x81] =	vst.msk $0xffff, v0;
	s22 =	sadd.s32 s25, s21;
	(pc) =	sbr.rel @p1 .LBB1_3-.Ltmp3, $4  }
0x49: {  	v3 =	vld [tilespmem:s20+$0x10];
	[tilespmem:s22+$0x3870 ss:$0x81] =	vst.msk $0xffff, v1  }
0x4a: {  	[tilespmem:s22+$0x810 ss:$0x81] =	vst.msk $0xffff, v5;
	v4 =	vld [tilespmem:s20+$0x20]  }
0x4b: {  	v0 =	vld [tilespmem:s20+$0xFFFFFFC0];
	[tilespmem:s22+$0x1020 ss:$0x81] =	vst.msk $0xffff, v6;
	s20 =	sadd.s32 $0x80, s20  }
0x4c: {  	s24 =	sadd.s32 $0x4, s24;
	v1 =	vld [tilespmem:s20+$0x30];
	[tilespmem:s22+$0x1830 ss:$0x81] =	vst.msk $0xffff, v7  }
.Ltmp4:
0x4d: {  	_ = 	snop;
	(pc) =	sbr.rel .LBB1_4-.Ltmp4, $1  }
0x4e: {  	_ =	sdelay $0x3  }
.LBB1_6:
0x4f: {  	_ =	sfence.sel $0x180000  }
0x50: {  	s2 =	simm.s32 $0x1;
	[bflag:$0x0] =	sbarrier.arrive $0xFFFF  }
0x51: {  	s31 =	simm.s32 $0x2;
	[sflag:s2] =	ssyncpa.u1 $0x1  }
0x52: {  	[sflag:s31] =	ssyncpa.u1 $0x1  }
0x53: {  	p0 =	sne.s32 s0, $0x0;
	_ =	strace $0x90000047  }
0x54: {  	s0 =	sadd.s32 @!p0 $0x100000, s1;
	[bflag:$0x2] =	sbarrier.arrive $0xFFFF  }
0x55: {  	[sflag:s0] =	ssyncadd.tile.s32 @!p0 $0x1;
	_ =	shalt  }
.Lfunc_end1:
_tile_overlayer_lowered:
.L_overlay_start_2:
0x56: {  	(tag) =	ssettag $0x2  }
0x57: {  	s0 =	rddreg [dreg:$0x0];
	s2 =	stileid.u32  }
0x58: {  	s1 =	rddreg [dreg:$0x1];
	p0 =	sne.s32 s2, $0x0  }
0x59: {  	s3 =	rddreg [dreg:$0x2];
	[bflag:$0x3] =	sbarrier.arrive $0xFFFF;
	s2 =	simm.s32 @!p0 $0x1C01  }
0x5a: {  	[timem:s3], [sflag:s2] =	dma.local @!p0 [hbm:s0], s1  }
0x5b: {  	s0 =	simm.s32 @!p0 $0x1  }
0x5c: {  	_ =	swait.ge @!p0 [sflag:s0], s1  }
0x5d: {  	s1 =	ssub.s32 @!p0 $0x0, s1;
	[sflag:s0] =	ssyncset.done @!p0 $0x0  }
0x5e: {  	[sflag:s0] =	ssyncadd.s32 @!p0 s1  }
0x5f: {  	[bflag:$0x3] =	sbarrier.arrive $0xFFFF  }
0x60: {  	_ =	shalt  }

</sc_bundles>
